<compile_context>
chip_gen: v7x
topology: tpu7x:2x2x1
jax: 0.10.2.dev20260603
libtpu: 0.0.44.dev20260713+nightly
codegen_flags: <defaults>
</compile_context>

<pallas_src>
import functools

import jax
import jax.numpy as jnp
from jax import lax
from jax.experimental import pallas as pl
from jax.experimental.pallas import tpu as pltpu
from jax.experimental.pallas import tpu_sc as plsc

_NC = 2
_NS = 16
_NW = _NC * _NS


def _emb_gather(ids_flat, table):
    B = ids_flat.shape[0]
    D = table.shape[1]
    BW = B // _NW
    C = 8
    NBUF = 4
    SBUF = 3
    G = 3
    nchunk = BW // C

    mesh = plsc.VectorSubcoreMesh(core_axis_name="c", subcore_axis_name="s")

    @functools.partial(
        pl.kernel,
        out_type=jax.ShapeDtypeStruct((B, D), jnp.float32),
        mesh=mesh,
        scratch_types=[
            pltpu.VMEM((BW,), jnp.int32),
            pltpu.VMEM((NBUF, C, D), jnp.float32),
            pltpu.VMEM_SHARED((_NS, SBUF, C, D), jnp.float32),
            pltpu.SemaphoreType.DMA((NBUF,)),
            pltpu.SemaphoreType.DMA((SBUF,)),
            pltpu.SemaphoreType.DMA((SBUF,)),
        ],
    )
    def k(idx_hbm, table_hbm, out_hbm, idx_v, bufs, shared, gsem, msem, ssem):
        wid = lax.axis_index("s") * _NC + lax.axis_index("c")
        sid = lax.axis_index("s")
        base = pl.multiple_of(wid * BW, 8)
        pltpu.sync_copy(idx_hbm.at[pl.ds(base, BW)], idx_v)

        def gather(j, s):
            off = pl.multiple_of(j * C, 8)
            pltpu.async_copy(
                table_hbm.at[idx_v.at[pl.ds(off, C)]], bufs.at[s], gsem.at[s]
            )

        def gather_wait(j, s):
            off = pl.multiple_of(j * C, 8)
            pltpu.make_async_copy(
                table_hbm.at[idx_v.at[pl.ds(off, C)]], bufs.at[s], gsem.at[s]
            ).wait()

        def move(s, m):
            pltpu.async_copy(bufs.at[s], shared.at[sid, m], msem.at[m])

        def move_wait(s, m):
            pltpu.make_async_copy(
                bufs.at[s], shared.at[sid, m], msem.at[m]
            ).wait()

        def store(j, m):
            off = pl.multiple_of(j * C, 8)
            pltpu.async_copy(
                shared.at[sid, m], out_hbm.at[pl.ds(base + off, C)], ssem.at[m]
            )

        def store_wait(j, m):
            off = pl.multiple_of(j * C, 8)
            pltpu.make_async_copy(
                shared.at[sid, m], out_hbm.at[pl.ds(base + off, C)], ssem.at[m]
            ).wait()

        for b in range(G):
            gather(b, b)

        def body(j, carry):
            s = lax.rem(j, NBUF)
            m = lax.rem(j, SBUF)
            gather_wait(j, s)

            @pl.when(j - SBUF >= 0)
            def _():
                store_wait(j - SBUF, m)

            move(s, m)

            @pl.when(j >= 1)
            def _():
                mp = lax.rem(j - 1, SBUF)
                move_wait(lax.rem(j - 1, NBUF), mp)
                store(j - 1, mp)

            @pl.when(j + G < nchunk)
            def _():
                gather(j + G, lax.rem(j + G, NBUF))

            return carry

        lax.fori_loop(0, nchunk, body, 0)
        jl = nchunk - 1
        move_wait(jl % NBUF, jl % SBUF)
        store(jl, jl % SBUF)
        for jj in range(nchunk - SBUF, nchunk):
            store_wait(jj, jj % SBUF)

    return k(ids_flat, table)


def kernel(input_ids, word_embeddings):
    b, s = input_ids.shape
    ids_flat = input_ids.reshape(b * s).astype(jnp.int32)
    out = _emb_gather(ids_flat, word_embeddings)
    return out.reshape(b, s, word_embeddings.shape[1])

# --- scband reference (transcript-rebuilt; emitter-appended) ---
"""Pipeline reference for scband-falcon-begin-59992103190825 (READ-ONLY COPY).

The authoritative reference and input builder live on the scoring server;
editing this copy changes nothing except your own understanding.
"""

import jax, jax.numpy as jnp
import numpy as np

VOCAB = 100000
HIDDEN = 2048
BATCH = 4
SEQ = 4096

def setup_inputs(seed: int = 0) -> dict:
    key = jax.random.key(seed)
    k_ids, k_tab = jax.random.split(key)
    input_ids = jax.random.randint(k_ids, (BATCH, SEQ), 0, VOCAB, dtype=jnp.int64 if jax.config.jax_enable_x64 else jnp.int32)
    word_embeddings = jax.random.normal(k_tab, (VOCAB, HIDDEN), dtype=jnp.float32) * 0.02
    return {"input_ids": input_ids, "word_embeddings": word_embeddings}

def reference(input_ids, word_embeddings):
    # nn.Embedding forward: gather rows of the table by token id
    return jnp.take(word_embeddings, input_ids, axis=0)

if __name__ == "__main__":
    import jax
    _d = setup_inputs()
    print(jax.jit(kernel)(*tuple(_d.values())))

</pallas_src>

<mosaic_0001>
#map = affine_map<(d0, d1) -> (0)>
#map1 = affine_map<(d0, d1) -> (0, 0)>
module attributes {stable_mosaic.version = 14 : i64} {
  func.func @k(%arg0: i32, %arg1: i32, %arg2: memref<16384xi32, #tpu.memory_space<hbm>>, %arg3: memref<100000x2048xf32, #tpu.memory_space<hbm>>, %arg4: memref<16384x2048xf32, #tpu.memory_space<hbm>>, %arg5: memref<512xi32, #tpu.memory_space<vmem>>, %arg6: memref<4x8x2048xf32, #tpu.memory_space<vmem>>, %arg7: memref<16x3x8x2048xf32, #tpu.memory_space<vmem_shared>>, %arg8: memref<4x!tpu.dma_semaphore, #tpu.memory_space<semaphore_mem>>, %arg9: memref<3x!tpu.dma_semaphore, #tpu.memory_space<semaphore_mem>>, %arg10: memref<3x!tpu.dma_semaphore, #tpu.memory_space<semaphore_mem>>) attributes {dimension_semantics = [#tpu.dimension_semantics<core_parallel>, #tpu.dimension_semantics<subcore_parallel>], iteration_bounds = array<i64: 2, 16>, scalar_prefetch = 0 : i64, scratch_operands = 6 : i64, tpu.core_type = #tpu.core_type<sc_vector_subcore>, window_params = [{transform_indices = #map}, {transform_indices = #map1}, {transform_indices = #map1}]} {
    %mul3A = arith.constant 2 : i32
    %mul3A_0 = arith.muli %arg1, %mul3A : i32
    %add3A = arith.addi %mul3A_0, %arg0 : i32
    %mul3A_1 = arith.constant 512 : i32
    %mul3A_2 = arith.muli %add3A, %mul3A_1 : i32
    %multiple_of3A = tpu.assume_multiple %mul3A_2, 8 : i32
    "tpu.region"() ({
      %run_scoped3A = tpu.sem_alloc : memref<!tpu.dma_semaphore, #tpu.memory_space<semaphore_mem>>
      %dma_start3A_121 = tpu.memref_slice %arg2[%multiple_of3A] : memref<16384xi32, #tpu.memory_space<hbm>> -> memref<512xi32, #tpu.memory_space<hbm>>
      %dma_start3A_122 = tpu.memref_slice %arg2[%multiple_of3A] : memref<16384xi32, #tpu.memory_space<hbm>> -> memref<512xi32, #tpu.memory_space<hbm>>
      tpu.enqueue_dma source(%dma_start3A_122 : memref<512xi32, #tpu.memory_space<hbm>>) target(%arg5 : memref<512xi32, #tpu.memory_space<vmem>>) target_semaphore(%run_scoped3A : memref<!tpu.dma_semaphore, #tpu.memory_space<semaphore_mem>>)
      %dma_wait3A_123 = tpu.memref_slice %arg2[%multiple_of3A] : memref<16384xi32, #tpu.memory_space<hbm>> -> memref<512xi32, #tpu.memory_space<hbm>>
      %dma_wait3A_124 = tpu.memref_slice %arg2[%multiple_of3A] : memref<16384xi32, #tpu.memory_space<hbm>> -> memref<512xi32, #tpu.memory_space<hbm>>
      tpu.wait_dma2 semaphore(%run_scoped3A : memref<!tpu.dma_semaphore, #tpu.memory_space<semaphore_mem>>) src(%dma_wait3A_124 : memref<512xi32, #tpu.memory_space<hbm>>) dst(%arg5 : memref<512xi32, #tpu.memory_space<vmem>>)
      tpu.yield
    }) : () -> ()
    %multiple_of3A_3 = arith.constant 0 : i32
    %multiple_of3A_4 = tpu.assume_multiple %multiple_of3A_3, 8 : i32
    %dma_start3A = arith.constant 0 : i32
    %dma_start3A_5 = arith.constant 0 : i32
    %dma_start3A_6 = arith.constant 0 : i32
    %dma_start3A_7 = arith.constant 0 : i32
    %dma_start3A_8 = tpu.memref_slice %arg6[%dma_start3A, %dma_start3A_6, %dma_start3A_7] : memref<4x8x2048xf32, #tpu.memory_space<vmem>> -> memref<1x8x2048xf32, #tpu.memory_space<vmem>>
    %dma_start3A_9 = tpu.memref_squeeze %dma_start3A_8 : memref<1x8x2048xf32, #tpu.memory_space<vmem>> -> memref<8x2048xf32, #tpu.memory_space<vmem>>
    %dma_start3A_10 = tpu.memref_slice %arg5[%multiple_of3A_4] : memref<512xi32, #tpu.memory_space<vmem>> -> memref<8xi32, #tpu.memory_space<vmem>>
    %dma_start3A_11 = arith.constant 0 : i32
    %dma_start3A_12 = arith.constant 0 : i32
    %dma_start3A_13 = tpu.memref_slice %arg3[%dma_start3A_11, %dma_start3A_12] : memref<100000x2048xf32, #tpu.memory_space<hbm>> -> memref<100000x2048xf32, #tpu.memory_space<hbm>>
    %dma_start3A_14 = tpu.memref_slice %arg8[%dma_start3A_5] : memref<4x!tpu.dma_semaphore, #tpu.memory_space<semaphore_mem>> -> memref<1x!tpu.dma_semaphore, #tpu.memory_space<semaphore_mem>>
    %dma_start3A_15 = tpu.memref_squeeze %dma_start3A_14 : memref<1x!tpu.dma_semaphore, #tpu.memory_space<semaphore_mem>> -> memref<!tpu.dma_semaphore, #tpu.memory_space<semaphore_mem>>
    tpu.enqueue_indirect_dma source(%dma_start3A_13 : memref<100000x2048xf32, #tpu.memory_space<hbm>>) target(%dma_start3A_9 : memref<8x2048xf32, #tpu.memory_space<vmem>>) offsets(%dma_start3A_10 : memref<8xi32, #tpu.memory_space<vmem>>) semaphore(%dma_start3A_15 : memref<!tpu.dma_semaphore, #tpu.memory_space<semaphore_mem>>)
    %multiple_of3A_16 = arith.constant 8 : i32
    %multiple_of3A_17 = tpu.assume_multiple %multiple_of3A_16, 8 : i32
    %dma_start3A_18 = arith.constant 1 : i32
    %dma_start3A_19 = arith.constant 1 : i32
    %dma_start3A_20 = arith.constant 0 : i32
    %dma_start3A_21 = arith.constant 0 : i32
    %dma_start3A_22 = tpu.memref_slice %arg6[%dma_start3A_18, %dma_start3A_20, %dma_start3A_21] : memref<4x8x2048xf32, #tpu.memory_space<vmem>> -> memref<1x8x2048xf32, #tpu.memory_space<vmem>>
    %dma_start3A_23 = tpu.memref_squeeze %dma_start3A_22 : memref<1x8x2048xf32, #tpu.memory_space<vmem>> -> memref<8x2048xf32, #tpu.memory_space<vmem>>
    %dma_start3A_24 = tpu.memref_slice %arg5[%multiple_of3A_17] : memref<512xi32, #tpu.memory_space<vmem>> -> memref<8xi32, #tpu.memory_space<vmem>>
    %dma_start3A_25 = arith.constant 0 : i32
    %dma_start3A_26 = arith.constant 0 : i32
    %dma_start3A_27 = tpu.memref_slice %arg3[%dma_start3A_25, %dma_start3A_26] : memref<100000x2048xf32, #tpu.memory_space<hbm>> -> memref<100000x2048xf32, #tpu.memory_space<hbm>>
    %dma_start3A_28 = tpu.memref_slice %arg8[%dma_start3A_19] : memref<4x!tpu.dma_semaphore, #tpu.memory_space<semaphore_mem>> -> memref<1x!tpu.dma_semaphore, #tpu.memory_space<semaphore_mem>>
    %dma_start3A_29 = tpu.memref_squeeze %dma_start3A_28 : memref<1x!tpu.dma_semaphore, #tpu.memory_space<semaphore_mem>> -> memref<!tpu.dma_semaphore, #tpu.memory_space<semaphore_mem>>
    tpu.enqueue_indirect_dma source(%dma_start3A_27 : memref<100000x2048xf32, #tpu.memory_space<hbm>>) target(%dma_start3A_23 : memref<8x2048xf32, #tpu.memory_space<vmem>>) offsets(%dma_start3A_24 : memref<8xi32, #tpu.memory_space<vmem>>) semaphore(%dma_start3A_29 : memref<!tpu.dma_semaphore, #tpu.memory_space<semaphore_mem>>)
    %multiple_of3A_30 = arith.constant 16 : i32
    %multiple_of3A_31 = tpu.assume_multiple %multiple_of3A_30, 8 : i32
    %dma_start3A_32 = arith.constant 2 : i32
    %dma_start3A_33 = arith.constant 2 : i32
    %dma_start3A_34 = arith.constant 0 : i32
    %dma_start3A_35 = arith.constant 0 : i32
    %dma_start3A_36 = tpu.memref_slice %arg6[%dma_start3A_32, %dma_start3A_34, %dma_start3A_35] : memref<4x8x2048xf32, #tpu.memory_space<vmem>> -> memref<1x8x2048xf32, #tpu.memory_space<vmem>>
    %dma_start3A_37 = tpu.memref_squeeze %dma_start3A_36 : memref<1x8x2048xf32, #tpu.memory_space<vmem>> -> memref<8x2048xf32, #tpu.memory_space<vmem>>
    %dma_start3A_38 = tpu.memref_slice %arg5[%multiple_of3A_31] : memref<512xi32, #tpu.memory_space<vmem>> -> memref<8xi32, #tpu.memory_space<vmem>>
    %dma_start3A_39 = arith.constant 0 : i32
    %dma_start3A_40 = arith.constant 0 : i32
    %dma_start3A_41 = tpu.memref_slice %arg3[%dma_start3A_39, %dma_start3A_40] : memref<100000x2048xf32, #tpu.memory_space<hbm>> -> memref<100000x2048xf32, #tpu.memory_space<hbm>>
    %dma_start3A_42 = tpu.memref_slice %arg8[%dma_start3A_33] : memref<4x!tpu.dma_semaphore, #tpu.memory_space<semaphore_mem>> -> memref<1x!tpu.dma_semaphore, #tpu.memory_space<semaphore_mem>>
    %dma_start3A_43 = tpu.memref_squeeze %dma_start3A_42 : memref<1x!tpu.dma_semaphore, #tpu.memory_space<semaphore_mem>> -> memref<!tpu.dma_semaphore, #tpu.memory_space<semaphore_mem>>
    tpu.enqueue_indirect_dma source(%dma_start3A_41 : memref<100000x2048xf32, #tpu.memory_space<hbm>>) target(%dma_start3A_37 : memref<8x2048xf32, #tpu.memory_space<vmem>>) offsets(%dma_start3A_38 : memref<8xi32, #tpu.memory_space<vmem>>) semaphore(%dma_start3A_43 : memref<!tpu.dma_semaphore, #tpu.memory_space<semaphore_mem>>)
    %scan3A = arith.constant 0 : i32
    %scan3A_44 = arith.constant 0 : i32
    %scan3A_45 = arith.constant 64 : i32
    %scan3A_46 = arith.addi %scan3A_44, %scan3A_45 : i32
    %scan3A_47 = arith.constant 1 : i32
    scf.for %scan3A_121 = %scan3A_44 to %scan3A_46 step %scan3A_47  : i32 {
      %rem3A = arith.constant 4 : i32
      %rem3A_122 = arith.remsi %scan3A_121, %rem3A : i32
      %rem3A_123 = arith.constant 3 : i32
      %rem3A_124 = arith.remsi %scan3A_121, %rem3A_123 : i32
      %mul3A_125 = arith.constant 8 : i32
      %mul3A_126 = arith.muli %scan3A_121, %mul3A_125 : i32
      %multiple_of3A_127 = tpu.assume_multiple %mul3A_126, 8 : i32
      %dma_wait3A_128 = arith.constant 0 : i32
      %dma_wait3A_129 = arith.constant 0 : i32
      %dma_wait3A_130 = tpu.memref_slice %arg6[%rem3A_122, %dma_wait3A_128, %dma_wait3A_129] : memref<4x8x2048xf32, #tpu.memory_space<vmem>> -> memref<1x8x2048xf32, #tpu.memory_space<vmem>>
      %dma_wait3A_131 = tpu.memref_squeeze %dma_wait3A_130 : memref<1x8x2048xf32, #tpu.memory_space<vmem>> -> memref<8x2048xf32, #tpu.memory_space<vmem>>
      %dma_wait3A_132 = tpu.memref_slice %arg5[%multiple_of3A_127] : memref<512xi32, #tpu.memory_space<vmem>> -> memref<8xi32, #tpu.memory_space<vmem>>
      %dma_wait3A_133 = arith.constant 0 : i32
      %dma_wait3A_134 = arith.constant 0 : i32
      %dma_wait3A_135 = tpu.memref_slice %arg3[%dma_wait3A_133, %dma_wait3A_134] : memref<100000x2048xf32, #tpu.memory_space<hbm>> -> memref<100000x2048xf32, #tpu.memory_space<hbm>>
      %dma_wait3A_136 = tpu.memref_slice %arg8[%rem3A_122] : memref<4x!tpu.dma_semaphore, #tpu.memory_space<semaphore_mem>> -> memref<1x!tpu.dma_semaphore, #tpu.memory_space<semaphore_mem>>
      %dma_wait3A_137 = tpu.memref_squeeze %dma_wait3A_136 : memref<1x!tpu.dma_semaphore, #tpu.memory_space<semaphore_mem>> -> memref<!tpu.dma_semaphore, #tpu.memory_space<semaphore_mem>>
      tpu.wait_indirect_dma semaphore(%dma_wait3A_137 : memref<!tpu.dma_semaphore, #tpu.memory_space<semaphore_mem>>) src(%dma_wait3A_135 : memref<100000x2048xf32, #tpu.memory_space<hbm>>) dst(%dma_wait3A_131 : memref<8x2048xf32, #tpu.memory_space<vmem>>)
      %sub3A = arith.constant 3 : i32
      %sub3A_138 = arith.subi %scan3A_121, %sub3A : i32
      %ge3A = arith.constant 0 : i32
      %ge3A_139 = arith.cmpi sge, %sub3A_138, %ge3A : i32
      %convert_element_type3A = arith.extui %ge3A_139 : i1 to i32
      %cond3A = arith.constant 0 : i32
      %cond3A_140 = arith.cmpi ne, %convert_element_type3A, %cond3A : i32
      scf.if %cond3A_140 {
        %sub3A_170 = arith.constant 3 : i32
        %sub3A_171 = arith.subi %scan3A_121, %sub3A_170 : i32
        %mul3A_172 = arith.constant 8 : i32
        %mul3A_173 = arith.muli %sub3A_171, %mul3A_172 : i32
        %multiple_of3A_174 = tpu.assume_multiple %mul3A_173, 8 : i32
        %add3A_175 = arith.addi %multiple_of3A, %multiple_of3A_174 : i32
        %dma_wait3A_176 = tpu.memref_slice %arg10[%rem3A_124] : memref<3x!tpu.dma_semaphore, #tpu.memory_space<semaphore_mem>> -> memref<1x!tpu.dma_semaphore, #tpu.memory_space<semaphore_mem>>
        %dma_wait3A_177 = tpu.memref_squeeze %dma_wait3A_176 : memref<1x!tpu.dma_semaphore, #tpu.memory_space<semaphore_mem>> -> memref<!tpu.dma_semaphore, #tpu.memory_space<semaphore_mem>>
        %dma_wait3A_178 = arith.constant 0 : i32
        %dma_wait3A_179 = tpu.memref_slice %arg4[%add3A_175, %dma_wait3A_178] : memref<16384x2048xf32, #tpu.memory_space<hbm>> -> memref<8x2048xf32, #tpu.memory_space<hbm>>
        %dma_wait3A_180 = arith.constant 0 : i32
        %dma_wait3A_181 = arith.constant 0 : i32
        %dma_wait3A_182 = tpu.memref_slice %arg7[%arg1, %rem3A_124, %dma_wait3A_180, %dma_wait3A_181] : memref<16x3x8x2048xf32, #tpu.memory_space<vmem_shared>> -> memref<1x1x8x2048xf32, #tpu.memory_space<vmem_shared>>
        %dma_wait3A_183 = tpu.memref_squeeze %dma_wait3A_182 : memref<1x1x8x2048xf32, #tpu.memory_space<vmem_shared>> -> memref<8x2048xf32, #tpu.memory_space<vmem_shared>>
        tpu.wait_dma2 semaphore(%dma_wait3A_177 : memref<!tpu.dma_semaphore, #tpu.memory_space<semaphore_mem>>) src(%dma_wait3A_183 : memref<8x2048xf32, #tpu.memory_space<vmem_shared>>) dst(%dma_wait3A_179 : memref<8x2048xf32, #tpu.memory_space<hbm>>)
      } else {
      }
      %dma_start3A_141 = arith.constant 0 : i32
      %dma_start3A_142 = arith.constant 0 : i32
      %dma_start3A_143 = tpu.memref_slice %arg6[%rem3A_122, %dma_start3A_141, %dma_start3A_142] : memref<4x8x2048xf32, #tpu.memory_space<vmem>> -> memref<1x8x2048xf32, #tpu.memory_space<vmem>>
      %dma_start3A_144 = tpu.memref_squeeze %dma_start3A_143 : memref<1x8x2048xf32, #tpu.memory_space<vmem>> -> memref<8x2048xf32, #tpu.memory_space<vmem>>
      %dma_start3A_145 = arith.constant 0 : i32
      %dma_start3A_146 = arith.constant 0 : i32
      %dma_start3A_147 = tpu.memref_slice %arg7[%arg1, %rem3A_124, %dma_start3A_145, %dma_start3A_146] : memref<16x3x8x2048xf32, #tpu.memory_space<vmem_shared>> -> memref<1x1x8x2048xf32, #tpu.memory_space<vmem_shared>>
      %dma_start3A_148 = tpu.memref_squeeze %dma_start3A_147 : memref<1x1x8x2048xf32, #tpu.memory_space<vmem_shared>> -> memref<8x2048xf32, #tpu.memory_space<vmem_shared>>
      %dma_start3A_149 = tpu.memref_slice %arg9[%rem3A_124] : memref<3x!tpu.dma_semaphore, #tpu.memory_space<semaphore_mem>> -> memref<1x!tpu.dma_semaphore, #tpu.memory_space<semaphore_mem>>
      %dma_start3A_150 = tpu.memref_squeeze %dma_start3A_149 : memref<1x!tpu.dma_semaphore, #tpu.memory_space<semaphore_mem>> -> memref<!tpu.dma_semaphore, #tpu.memory_space<semaphore_mem>>
      %dma_start3A_151 = arith.constant 0 : i32
      %dma_start3A_152 = arith.constant 0 : i32
      %dma_start3A_153 = tpu.memref_slice %arg7[%arg1, %rem3A_124, %dma_start3A_151, %dma_start3A_152] : memref<16x3x8x2048xf32, #tpu.memory_space<vmem_shared>> -> memref<1x1x8x2048xf32, #tpu.memory_space<vmem_shared>>
      %dma_start3A_154 = tpu.memref_squeeze %dma_start3A_153 : memref<1x1x8x2048xf32, #tpu.memory_space<vmem_shared>> -> memref<8x2048xf32, #tpu.memory_space<vmem_shared>>
      %dma_start3A_155 = arith.constant 0 : i32
      %dma_start3A_156 = arith.constant 0 : i32
      %dma_start3A_157 = tpu.memref_slice %arg6[%rem3A_122, %dma_start3A_155, %dma_start3A_156] : memref<4x8x2048xf32, #tpu.memory_space<vmem>> -> memref<1x8x2048xf32, #tpu.memory_space<vmem>>
      %dma_start3A_158 = tpu.memref_squeeze %dma_start3A_157 : memref<1x8x2048xf32, #tpu.memory_space<vmem>> -> memref<8x2048xf32, #tpu.memory_space<vmem>>
      tpu.enqueue_dma source(%dma_start3A_158 : memref<8x2048xf32, #tpu.memory_space<vmem>>) target(%dma_start3A_154 : memref<8x2048xf32, #tpu.memory_space<vmem_shared>>) target_semaphore(%dma_start3A_150 : memref<!tpu.dma_semaphore, #tpu.memory_space<semaphore_mem>>)
      %ge3A_159 = arith.constant 1 : i32
      %ge3A_160 = arith.cmpi sge, %scan3A_121, %ge3A_159 : i32
      %convert_element_type3A_161 = arith.extui %ge3A_160 : i1 to i32
      %cond3A_162 = arith.constant 0 : i32
      %cond3A_163 = arith.cmpi ne, %convert_element_type3A_161, %cond3A_162 : i32
      scf.if %cond3A_163 {
        %sub3A_170 = arith.constant 1 : i32
        %sub3A_171 = arith.subi %scan3A_121, %sub3A_170 : i32
        %rem3A_172 = arith.constant 3 : i32
        %rem3A_173 = arith.remsi %sub3A_171, %rem3A_172 : i32
        %sub3A_174 = arith.constant 1 : i32
        %sub3A_175 = arith.subi %scan3A_121, %sub3A_174 : i32
        %rem3A_176 = arith.constant 4 : i32
        %rem3A_177 = arith.remsi %sub3A_175, %rem3A_176 : i32
        %dma_wait3A_178 = arith.constant 0 : i32
        %dma_wait3A_179 = arith.constant 0 : i32
        %dma_wait3A_180 = tpu.memref_slice %arg6[%rem3A_177, %dma_wait3A_178, %dma_wait3A_179] : memref<4x8x2048xf32, #tpu.memory_space<vmem>> -> memref<1x8x2048xf32, #tpu.memory_space<vmem>>
        %dma_wait3A_181 = tpu.memref_squeeze %dma_wait3A_180 : memref<1x8x2048xf32, #tpu.memory_space<vmem>> -> memref<8x2048xf32, #tpu.memory_space<vmem>>
        %dma_wait3A_182 = arith.constant 0 : i32
        %dma_wait3A_183 = arith.constant 0 : i32
        %dma_wait3A_184 = tpu.memref_slice %arg7[%arg1, %rem3A_173, %dma_wait3A_182, %dma_wait3A_183] : memref<16x3x8x2048xf32, #tpu.memory_space<vmem_shared>> -> memref<1x1x8x2048xf32, #tpu.memory_space<vmem_shared>>
        %dma_wait3A_185 = tpu.memref_squeeze %dma_wait3A_184 : memref<1x1x8x2048xf32, #tpu.memory_space<vmem_shared>> -> memref<8x2048xf32, #tpu.memory_space<vmem_shared>>
        %dma_wait3A_186 = tpu.memref_slice %arg9[%rem3A_173] : memref<3x!tpu.dma_semaphore, #tpu.memory_space<semaphore_mem>> -> memref<1x!tpu.dma_semaphore, #tpu.memory_space<semaphore_mem>>
        %dma_wait3A_187 = tpu.memref_squeeze %dma_wait3A_186 : memref<1x!tpu.dma_semaphore, #tpu.memory_space<semaphore_mem>> -> memref<!tpu.dma_semaphore, #tpu.memory_space<semaphore_mem>>
        %dma_wait3A_188 = arith.constant 0 : i32
        %dma_wait3A_189 = arith.constant 0 : i32
        %dma_wait3A_190 = tpu.memref_slice %arg7[%arg1, %rem3A_173, %dma_wait3A_188, %dma_wait3A_189] : memref<16x3x8x2048xf32, #tpu.memory_space<vmem_shared>> -> memref<1x1x8x2048xf32, #tpu.memory_space<vmem_shared>>
        %dma_wait3A_191 = tpu.memref_squeeze %dma_wait3A_190 : memref<1x1x8x2048xf32, #tpu.memory_space<vmem_shared>> -> memref<8x2048xf32, #tpu.memory_space<vmem_shared>>
        %dma_wait3A_192 = arith.constant 0 : i32
        %dma_wait3A_193 = arith.constant 0 : i32
        %dma_wait3A_194 = tpu.memref_slice %arg6[%rem3A_177, %dma_wait3A_192, %dma_wait3A_193] : memref<4x8x2048xf32, #tpu.memory_space<vmem>> -> memref<1x8x2048xf32, #tpu.memory_space<vmem>>
        %dma_wait3A_195 = tpu.memref_squeeze %dma_wait3A_194 : memref<1x8x2048xf32, #tpu.memory_space<vmem>> -> memref<8x2048xf32, #tpu.memory_space<vmem>>
        tpu.wait_dma2 semaphore(%dma_wait3A_187 : memref<!tpu.dma_semaphore, #tpu.memory_space<semaphore_mem>>) src(%dma_wait3A_195 : memref<8x2048xf32, #tpu.memory_space<vmem>>) dst(%dma_wait3A_191 : memref<8x2048xf32, #tpu.memory_space<vmem_shared>>)
        %sub3A_196 = arith.constant 1 : i32
        %sub3A_197 = arith.subi %scan3A_121, %sub3A_196 : i32
        %mul3A_198 = arith.constant 8 : i32
        %mul3A_199 = arith.muli %sub3A_197, %mul3A_198 : i32
        %multiple_of3A_200 = tpu.assume_multiple %mul3A_199, 8 : i32
        %add3A_201 = arith.addi %multiple_of3A, %multiple_of3A_200 : i32
        %dma_start3A_202 = tpu.memref_slice %arg10[%rem3A_173] : memref<3x!tpu.dma_semaphore, #tpu.memory_space<semaphore_mem>> -> memref<1x!tpu.dma_semaphore, #tpu.memory_space<semaphore_mem>>
        %dma_start3A_203 = tpu.memref_squeeze %dma_start3A_202 : memref<1x!tpu.dma_semaphore, #tpu.memory_space<semaphore_mem>> -> memref<!tpu.dma_semaphore, #tpu.memory_space<semaphore_mem>>
        %dma_start3A_204 = arith.constant 0 : i32
        %dma_start3A_205 = tpu.memref_slice %arg4[%add3A_201, %dma_start3A_204] : memref<16384x2048xf32, #tpu.memory_space<hbm>> -> memref<8x2048xf32, #tpu.memory_space<hbm>>
        %dma_start3A_206 = arith.constant 0 : i32
        %dma_start3A_207 = arith.constant 0 : i32
        %dma_start3A_208 = tpu.memref_slice %arg7[%arg1, %rem3A_173, %dma_start3A_206, %dma_start3A_207] : memref<16x3x8x2048xf32, #tpu.memory_space<vmem_shared>> -> memref<1x1x8x2048xf32, #tpu.memory_space<vmem_shared>>
        %dma_start3A_209 = tpu.memref_squeeze %dma_start3A_208 : memref<1x1x8x2048xf32, #tpu.memory_space<vmem_shared>> -> memref<8x2048xf32, #tpu.memory_space<vmem_shared>>
        tpu.enqueue_dma source(%dma_start3A_209 : memref<8x2048xf32, #tpu.memory_space<vmem_shared>>) target(%dma_start3A_205 : memref<8x2048xf32, #tpu.memory_space<hbm>>) target_semaphore(%dma_start3A_203 : memref<!tpu.dma_semaphore, #tpu.memory_space<semaphore_mem>>)
      } else {
      }
      %add3A_164 = arith.constant 3 : i32
      %add3A_165 = arith.addi %scan3A_121, %add3A_164 : i32
      %lt3A = arith.constant 64 : i32
      %lt3A_166 = arith.cmpi slt, %add3A_165, %lt3A : i32
      %convert_element_type3A_167 = arith.extui %lt3A_166 : i1 to i32
      %cond3A_168 = arith.constant 0 : i32
      %cond3A_169 = arith.cmpi ne, %convert_element_type3A_167, %cond3A_168 : i32
      scf.if %cond3A_169 {
        %add3A_170 = arith.constant 3 : i32
        %add3A_171 = arith.addi %scan3A_121, %add3A_170 : i32
        %add3A_172 = arith.constant 3 : i32
        %add3A_173 = arith.addi %scan3A_121, %add3A_172 : i32
        %rem3A_174 = arith.constant 4 : i32
        %rem3A_175 = arith.remsi %add3A_173, %rem3A_174 : i32
        %mul3A_176 = arith.constant 8 : i32
        %mul3A_177 = arith.muli %add3A_171, %mul3A_176 : i32
        %multiple_of3A_178 = tpu.assume_multiple %mul3A_177, 8 : i32
        %dma_start3A_179 = arith.constant 0 : i32
        %dma_start3A_180 = arith.constant 0 : i32
        %dma_start3A_181 = tpu.memref_slice %arg6[%rem3A_175, %dma_start3A_179, %dma_start3A_180] : memref<4x8x2048xf32, #tpu.memory_space<vmem>> -> memref<1x8x2048xf32, #tpu.memory_space<vmem>>
        %dma_start3A_182 = tpu.memref_squeeze %dma_start3A_181 : memref<1x8x2048xf32, #tpu.memory_space<vmem>> -> memref<8x2048xf32, #tpu.memory_space<vmem>>
        %dma_start3A_183 = tpu.memref_slice %arg5[%multiple_of3A_178] : memref<512xi32, #tpu.memory_space<vmem>> -> memref<8xi32, #tpu.memory_space<vmem>>
        %dma_start3A_184 = arith.constant 0 : i32
        %dma_start3A_185 = arith.constant 0 : i32
        %dma_start3A_186 = tpu.memref_slice %arg3[%dma_start3A_184, %dma_start3A_185] : memref<100000x2048xf32, #tpu.memory_space<hbm>> -> memref<100000x2048xf32, #tpu.memory_space<hbm>>
        %dma_start3A_187 = tpu.memref_slice %arg8[%rem3A_175] : memref<4x!tpu.dma_semaphore, #tpu.memory_space<semaphore_mem>> -> memref<1x!tpu.dma_semaphore, #tpu.memory_space<semaphore_mem>>
        %dma_start3A_188 = tpu.memref_squeeze %dma_start3A_187 : memref<1x!tpu.dma_semaphore, #tpu.memory_space<semaphore_mem>> -> memref<!tpu.dma_semaphore, #tpu.memory_space<semaphore_mem>>
        tpu.enqueue_indirect_dma source(%dma_start3A_186 : memref<100000x2048xf32, #tpu.memory_space<hbm>>) target(%dma_start3A_182 : memref<8x2048xf32, #tpu.memory_space<vmem>>) offsets(%dma_start3A_183 : memref<8xi32, #tpu.memory_space<vmem>>) semaphore(%dma_start3A_188 : memref<!tpu.dma_semaphore, #tpu.memory_space<semaphore_mem>>)
      } else {
      }
    }
    %scan3A_48 = arith.constant 64 : i32
    %dma_wait3A = arith.constant 3 : i32
    %dma_wait3A_49 = arith.constant 0 : i32
    %dma_wait3A_50 = arith.constant 0 : i32
    %dma_wait3A_51 = arith.constant 0 : i32
    %dma_wait3A_52 = arith.constant 0 : i32
    %dma_wait3A_53 = tpu.memref_slice %arg6[%dma_wait3A, %dma_wait3A_51, %dma_wait3A_52] : memref<4x8x2048xf32, #tpu.memory_space<vmem>> -> memref<1x8x2048xf32, #tpu.memory_space<vmem>>
    %dma_wait3A_54 = tpu.memref_squeeze %dma_wait3A_53 : memref<1x8x2048xf32, #tpu.memory_space<vmem>> -> memref<8x2048xf32, #tpu.memory_space<vmem>>
    %dma_wait3A_55 = arith.constant 0 : i32
    %dma_wait3A_56 = arith.constant 0 : i32
    %dma_wait3A_57 = tpu.memref_slice %arg7[%arg1, %dma_wait3A_49, %dma_wait3A_55, %dma_wait3A_56] : memref<16x3x8x2048xf32, #tpu.memory_space<vmem_shared>> -> memref<1x1x8x2048xf32, #tpu.memory_space<vmem_shared>>
    %dma_wait3A_58 = tpu.memref_squeeze %dma_wait3A_57 : memref<1x1x8x2048xf32, #tpu.memory_space<vmem_shared>> -> memref<8x2048xf32, #tpu.memory_space<vmem_shared>>
    %dma_wait3A_59 = tpu.memref_slice %arg9[%dma_wait3A_50] : memref<3x!tpu.dma_semaphore, #tpu.memory_space<semaphore_mem>> -> memref<1x!tpu.dma_semaphore, #tpu.memory_space<semaphore_mem>>
    %dma_wait3A_60 = tpu.memref_squeeze %dma_wait3A_59 : memref<1x!tpu.dma_semaphore, #tpu.memory_space<semaphore_mem>> -> memref<!tpu.dma_semaphore, #tpu.memory_space<semaphore_mem>>
    %dma_wait3A_61 = arith.constant 0 : i32
    %dma_wait3A_62 = arith.constant 0 : i32
    %dma_wait3A_63 = tpu.memref_slice %arg7[%arg1, %dma_wait3A_49, %dma_wait3A_61, %dma_wait3A_62] : memref<16x3x8x2048xf32, #tpu.memory_space<vmem_shared>> -> memref<1x1x8x2048xf32, #tpu.memory_space<vmem_shared>>
    %dma_wait3A_64 = tpu.memref_squeeze %dma_wait3A_63 : memref<1x1x8x2048xf32, #tpu.memory_space<vmem_shared>> -> memref<8x2048xf32, #tpu.memory_space<vmem_shared>>
    %dma_wait3A_65 = arith.constant 0 : i32
    %dma_wait3A_66 = arith.constant 0 : i32
    %dma_wait3A_67 = tpu.memref_slice %arg6[%dma_wait3A, %dma_wait3A_65, %dma_wait3A_66] : memref<4x8x2048xf32, #tpu.memory_space<vmem>> -> memref<1x8x2048xf32, #tpu.memory_space<vmem>>
    %dma_wait3A_68 = tpu.memref_squeeze %dma_wait3A_67 : memref<1x8x2048xf32, #tpu.memory_space<vmem>> -> memref<8x2048xf32, #tpu.memory_space<vmem>>
    tpu.wait_dma2 semaphore(%dma_wait3A_60 : memref<!tpu.dma_semaphore, #tpu.memory_space<semaphore_mem>>) src(%dma_wait3A_68 : memref<8x2048xf32, #tpu.memory_space<vmem>>) dst(%dma_wait3A_64 : memref<8x2048xf32, #tpu.memory_space<vmem_shared>>)
    %multiple_of3A_69 = arith.constant 504 : i32
    %multiple_of3A_70 = tpu.assume_multiple %multiple_of3A_69, 8 : i32
    %add3A_71 = arith.addi %multiple_of3A, %multiple_of3A_70 : i32
    %dma_start3A_72 = arith.constant 0 : i32
    %dma_start3A_73 = arith.constant 0 : i32
    %dma_start3A_74 = tpu.memref_slice %arg10[%dma_start3A_73] : memref<3x!tpu.dma_semaphore, #tpu.memory_space<semaphore_mem>> -> memref<1x!tpu.dma_semaphore, #tpu.memory_space<semaphore_mem>>
    %dma_start3A_75 = tpu.memref_squeeze %dma_start3A_74 : memref<1x!tpu.dma_semaphore, #tpu.memory_space<semaphore_mem>> -> memref<!tpu.dma_semaphore, #tpu.memory_space<semaphore_mem>>
    %dma_start3A_76 = arith.constant 0 : i32
    %dma_start3A_77 = tpu.memref_slice %arg4[%add3A_71, %dma_start3A_76] : memref<16384x2048xf32, #tpu.memory_space<hbm>> -> memref<8x2048xf32, #tpu.memory_space<hbm>>
    %dma_start3A_78 = arith.constant 0 : i32
    %dma_start3A_79 = arith.constant 0 : i32
    %dma_start3A_80 = tpu.memref_slice %arg7[%arg1, %dma_start3A_72, %dma_start3A_78, %dma_start3A_79] : memref<16x3x8x2048xf32, #tpu.memory_space<vmem_shared>> -> memref<1x1x8x2048xf32, #tpu.memory_space<vmem_shared>>
    %dma_start3A_81 = tpu.memref_squeeze %dma_start3A_80 : memref<1x1x8x2048xf32, #tpu.memory_space<vmem_shared>> -> memref<8x2048xf32, #tpu.memory_space<vmem_shared>>
    tpu.enqueue_dma source(%dma_start3A_81 : memref<8x2048xf32, #tpu.memory_space<vmem_shared>>) target(%dma_start3A_77 : memref<8x2048xf32, #tpu.memory_space<hbm>>) target_semaphore(%dma_start3A_75 : memref<!tpu.dma_semaphore, #tpu.memory_space<semaphore_mem>>)
    %multiple_of3A_82 = arith.constant 488 : i32
    %multiple_of3A_83 = tpu.assume_multiple %multiple_of3A_82, 8 : i32
    %add3A_84 = arith.addi %multiple_of3A, %multiple_of3A_83 : i32
    %dma_wait3A_85 = arith.constant 1 : i32
    %dma_wait3A_86 = arith.constant 1 : i32
    %dma_wait3A_87 = tpu.memref_slice %arg10[%dma_wait3A_86] : memref<3x!tpu.dma_semaphore, #tpu.memory_space<semaphore_mem>> -> memref<1x!tpu.dma_semaphore, #tpu.memory_space<semaphore_mem>>
    %dma_wait3A_88 = tpu.memref_squeeze %dma_wait3A_87 : memref<1x!tpu.dma_semaphore, #tpu.memory_space<semaphore_mem>> -> memref<!tpu.dma_semaphore, #tpu.memory_space<semaphore_mem>>
    %dma_wait3A_89 = arith.constant 0 : i32
    %dma_wait3A_90 = tpu.memref_slice %arg4[%add3A_84, %dma_wait3A_89] : memref<16384x2048xf32, #tpu.memory_space<hbm>> -> memref<8x2048xf32, #tpu.memory_space<hbm>>
    %dma_wait3A_91 = arith.constant 0 : i32
    %dma_wait3A_92 = arith.constant 0 : i32
    %dma_wait3A_93 = tpu.memref_slice %arg7[%arg1, %dma_wait3A_85, %dma_wait3A_91, %dma_wait3A_92] : memref<16x3x8x2048xf32, #tpu.memory_space<vmem_shared>> -> memref<1x1x8x2048xf32, #tpu.memory_space<vmem_shared>>
    %dma_wait3A_94 = tpu.memref_squeeze %dma_wait3A_93 : memref<1x1x8x2048xf32, #tpu.memory_space<vmem_shared>> -> memref<8x2048xf32, #tpu.memory_space<vmem_shared>>
    tpu.wait_dma2 semaphore(%dma_wait3A_88 : memref<!tpu.dma_semaphore, #tpu.memory_space<semaphore_mem>>) src(%dma_wait3A_94 : memref<8x2048xf32, #tpu.memory_space<vmem_shared>>) dst(%dma_wait3A_90 : memref<8x2048xf32, #tpu.memory_space<hbm>>)
    %multiple_of3A_95 = arith.constant 496 : i32
    %multiple_of3A_96 = tpu.assume_multiple %multiple_of3A_95, 8 : i32
    %add3A_97 = arith.addi %multiple_of3A, %multiple_of3A_96 : i32
    %dma_wait3A_98 = arith.constant 2 : i32
    %dma_wait3A_99 = arith.constant 2 : i32
    %dma_wait3A_100 = tpu.memref_slice %arg10[%dma_wait3A_99] : memref<3x!tpu.dma_semaphore, #tpu.memory_space<semaphore_mem>> -> memref<1x!tpu.dma_semaphore, #tpu.memory_space<semaphore_mem>>
    %dma_wait3A_101 = tpu.memref_squeeze %dma_wait3A_100 : memref<1x!tpu.dma_semaphore, #tpu.memory_space<semaphore_mem>> -> memref<!tpu.dma_semaphore, #tpu.memory_space<semaphore_mem>>
    %dma_wait3A_102 = arith.constant 0 : i32
    %dma_wait3A_103 = tpu.memref_slice %arg4[%add3A_97, %dma_wait3A_102] : memref<16384x2048xf32, #tpu.memory_space<hbm>> -> memref<8x2048xf32, #tpu.memory_space<hbm>>
    %dma_wait3A_104 = arith.constant 0 : i32
    %dma_wait3A_105 = arith.constant 0 : i32
    %dma_wait3A_106 = tpu.memref_slice %arg7[%arg1, %dma_wait3A_98, %dma_wait3A_104, %dma_wait3A_105] : memref<16x3x8x2048xf32, #tpu.memory_space<vmem_shared>> -> memref<1x1x8x2048xf32, #tpu.memory_space<vmem_shared>>
    %dma_wait3A_107 = tpu.memref_squeeze %dma_wait3A_106 : memref<1x1x8x2048xf32, #tpu.memory_space<vmem_shared>> -> memref<8x2048xf32, #tpu.memory_space<vmem_shared>>
    tpu.wait_dma2 semaphore(%dma_wait3A_101 : memref<!tpu.dma_semaphore, #tpu.memory_space<semaphore_mem>>) src(%dma_wait3A_107 : memref<8x2048xf32, #tpu.memory_space<vmem_shared>>) dst(%dma_wait3A_103 : memref<8x2048xf32, #tpu.memory_space<hbm>>)
    %multiple_of3A_108 = arith.constant 504 : i32
    %multiple_of3A_109 = tpu.assume_multiple %multiple_of3A_108, 8 : i32
    %add3A_110 = arith.addi %multiple_of3A, %multiple_of3A_109 : i32
    %dma_wait3A_111 = arith.constant 0 : i32
    %dma_wait3A_112 = arith.constant 0 : i32
    %dma_wait3A_113 = tpu.memref_slice %arg10[%dma_wait3A_112] : memref<3x!tpu.dma_semaphore, #tpu.memory_space<semaphore_mem>> -> memref<1x!tpu.dma_semaphore, #tpu.memory_space<semaphore_mem>>
    %dma_wait3A_114 = tpu.memref_squeeze %dma_wait3A_113 : memref<1x!tpu.dma_semaphore, #tpu.memory_space<semaphore_mem>> -> memref<!tpu.dma_semaphore, #tpu.memory_space<semaphore_mem>>
    %dma_wait3A_115 = arith.constant 0 : i32
    %dma_wait3A_116 = tpu.memref_slice %arg4[%add3A_110, %dma_wait3A_115] : memref<16384x2048xf32, #tpu.memory_space<hbm>> -> memref<8x2048xf32, #tpu.memory_space<hbm>>
    %dma_wait3A_117 = arith.constant 0 : i32
    %dma_wait3A_118 = arith.constant 0 : i32
    %dma_wait3A_119 = tpu.memref_slice %arg7[%arg1, %dma_wait3A_111, %dma_wait3A_117, %dma_wait3A_118] : memref<16x3x8x2048xf32, #tpu.memory_space<vmem_shared>> -> memref<1x1x8x2048xf32, #tpu.memory_space<vmem_shared>>
    %dma_wait3A_120 = tpu.memref_squeeze %dma_wait3A_119 : memref<1x1x8x2048xf32, #tpu.memory_space<vmem_shared>> -> memref<8x2048xf32, #tpu.memory_space<vmem_shared>>
    tpu.wait_dma2 semaphore(%dma_wait3A_114 : memref<!tpu.dma_semaphore, #tpu.memory_space<semaphore_mem>>) src(%dma_wait3A_120 : memref<8x2048xf32, #tpu.memory_space<vmem_shared>>) dst(%dma_wait3A_116 : memref<8x2048xf32, #tpu.memory_space<hbm>>)
    return
  }
}

</mosaic_0001>

<sc_bundles>
// kernel: kernel.3.cloned.1.call-start
scs
__scs_entry_jumppad:
0x0: {  	(pc) =	sbr.rel $0x88, $3  }
0x1: {  	(tag) =	ssettag $0x0;
	lr =	simm.s32 $0x1  }
0x2: {  	[smem:$0x3F9F] =	sst lr;
	_ =	strace $0xD0000000  }
0x3: {  	_ = 	snop  }
0x4: {  	_ = 	snop  }
0x5: {  	_ = 	snop  }
0x6: {  	_ = 	snop  }
0x7: {  	_ = 	snop  }
__scs_overlays_trampoline_lowered:
0x8: {  	[smem:$0x3FAE] =	sst s0  }
0x9: {  	[smem:$0x3FAF] =	sst s1  }
0xa: {  	[smem:$0x3FB0] =	sst s2  }
0xb: {  	[smem:$0x3FB1] =	sst s3  }
0xc: {  	[smem:$0x3FB2] =	sst s4  }
0xd: {  	[smem:$0x3FB3] =	sst s5  }
0xe: {  	[smem:$0x3FB4] =	sst s6  }
0xf: {  	[smem:$0x3FB5] =	sst s7  }
0x10: {  	[smem:$0x3FB6] =	sst s8  }
0x11: {  	[smem:$0x3FB7] =	sst s9;
	s0 =	simm.s32 @!p0 $0x0  }
0x12: {  	s1 =	sld [smem:$0x3F9D];
	s0 =	simm.s32 @p0 $0x1  }
0x13: {  	[smem:$0x3FB8] =	sst s0;
	s0 =	simm.s32 @!p1 $0x0  }
0x14: {  	s2 =	sld [smem:$0x3F9C];
	s0 =	simm.s32 @p1 $0x1  }
0x15: {  	[smem:$0x3FB9] =	sst s0;
	s0 =	simm.s32 @!p2 $0x0  }
0x16: {  	s3 =	sld [smem:$0x3FDB];
	s0 =	simm.s32 @p2 $0x1  }
0x17: {  	s4 =	simm.s32 $0x1BF5;
	[smem:$0x3FBB] =	sst s0  }
0x18: {  	s0 =	sld [smem:$0x3F9E];
	_ =	swait.ge [sflag:s4], $0x0  }
0x19: {  	s7 =	sld [smem:$0x3F9F]  }
0x1a: {  	s8 =	sadd.s32 $0xFFFFE003, lr  }
0x1b: {  	s9 =	sadd.s32 $0xFFFFFEF7, lr;
	s5 =	simm.s32 $0xFFFFFFFF;
	p2 =	slt.u32 s8, $0xFFFFF086  }
0x1c: {  	p1 =	slt.u32 s9, $0xF7A;
	s5 =	simm.s32 @!p2 $0x0  }
0x1d: {  	s5 =	simm.s32 @p1 $0x1;
	p0 =	seq.s32 s7, s2  }
0x1e: {  	s7 =	smul.u32 @!p0 $0xF7A, s2;
	p2 =	seq.s32 @!p0 s5, $0x0  }
0x1f: {  	s9 =	smul.u32 $0xF7A, s1;
	s8 =	simm.s32 @!p0 $0x1BF5;
	p2 =	por !p2, p0  }
0x20: {  	[sflag:s8] =	ssyncset.s32 @!p0 $0xFFFFF086;
	s6 =	sadd.s32 @!p0 s3, s7;
	s7 =	simm.s32 @!p0 $0x108  }
0x21: {  	s3 =	sadd.s32 s3, s9;
	s6 =	sadd.s32 @!p0 $0x88, s6;
	s7 =	simm.s32 @p2 $0x1082  }
0x22: {  	[simem:s7], [sflag:s8] =	dma.local @!p0 [hbm:s6], $0xF7A  }
0x23: {  	s9 =	sor.u32 $0xD0000000, s2;
	s6 =	simm.s32 $0x108;
	_ =	swait.ge @!p0 [sflag:s8], $0x0  }
0x24: {  	s3 =	sadd.s32 $0x88, s3;
	s6 =	simm.s32 @!p1 $0x1082;
	[sflag:s4] =	ssyncset.s32 $0xFFFFF086  }
0x25: {  	[simem:s6], [sflag:s4] =	dma.local [hbm:s3], $0xF7A  }
0x26: {  	[smem:$0x3F9F] =	sst s1;
	(tag) =	ssettag s2;
	_ =	strace s9  }
0x27: {  	s1 =	sld [smem:$0x3FAF]  }
0x28: {  	s2 =	sld [smem:$0x3FB0]  }
0x29: {  	s4 =	sld [smem:$0x3FB2]  }
0x2a: {  	p0 =	seq.s32 s5, $0x0;
	s5 =	sld [smem:$0x3FB3]  }
0x2b: {  	s6 =	sld [smem:$0x3FB4]  }
0x2c: {  	s7 =	sld [smem:$0x3FB5]  }
0x2d: {  	s3 =	simm.s32 $0x108;
	s8 =	sld [smem:$0x3FB6]  }
0x2e: {  	s3 =	simm.s32 @!p0 $0x1082;
	s9 =	sld [smem:$0x3FB7]  }
0x2f: {  	lr =	sadd.s32 s0, s3;
	s0 =	sld [smem:$0x3FAE]  }
0x30: {  	s3 =	sld [smem:$0x3FB1]  }
0x31: {  	[smem:$0x3FBA] =	sst s10  }
0x32: {  	s10 =	sld [smem:$0x3FB8];
	_ =	sdelay $0x3  }
0x33: {  	p0 =	seq.s32 s10, $0x1;
	s10 =	sld [smem:$0x3FBA];
	_ =	sdelay $0x3  }
0x34: {  	[smem:$0x3FBA] =	sst s10  }
0x35: {  	s10 =	sld [smem:$0x3FB9];
	_ =	sdelay $0x3  }
0x36: {  	p1 =	seq.s32 s10, $0x1;
	s10 =	sld [smem:$0x3FBA];
	_ =	sdelay $0x3  }
0x37: {  	[smem:$0x3FBA] =	sst s10  }
0x38: {  	s10 =	sld [smem:$0x3FBB]  }
0x39: {  	_ = 	snop;
	(pc) =	sbr.ind lr, $3  }
0x3a: {  	_ = 	snop  }
0x3b: {  	_ = 	snop  }
0x3c: {  	p2 =	seq.s32 s10, $0x1;
	s10 =	sld [smem:$0x3FBA]  }
0x3d: {  	_ =	shalt  }
0x3e: {  	_ =	shalt  }
0x3f: {  	_ =	shalt  }
0x40: {  	_ =	shalt  }
0x41: {  	_ =	shalt  }
0x42: {  	_ =	shalt  }
0x43: {  	_ =	shalt  }
0x44: {  	_ =	shalt  }
0x45: {  	_ =	shalt  }
0x46: {  	_ =	shalt  }
0x47: {  	_ =	shalt  }
0x48: {  	_ =	shalt  }
0x49: {  	_ =	shalt  }
0x4a: {  	_ =	shalt  }
0x4b: {  	_ =	shalt  }
0x4c: {  	_ =	shalt  }
0x4d: {  	_ =	shalt  }
0x4e: {  	_ =	shalt  }
0x4f: {  	_ =	shalt  }
0x50: {  	_ =	shalt  }
0x51: {  	_ =	shalt  }
0x52: {  	_ =	shalt  }
0x53: {  	_ =	shalt  }
0x54: {  	_ =	shalt  }
0x55: {  	_ =	shalt  }
0x56: {  	_ =	shalt  }
0x57: {  	_ =	shalt  }
0x58: {  	_ =	shalt  }
0x59: {  	_ =	shalt  }
0x5a: {  	_ =	shalt  }
0x5b: {  	_ =	shalt  }
0x5c: {  	_ =	shalt  }
0x5d: {  	_ =	shalt  }
0x5e: {  	_ =	shalt  }
0x5f: {  	_ =	shalt  }
0x60: {  	_ =	shalt  }
0x61: {  	_ =	shalt  }
0x62: {  	_ =	shalt  }
0x63: {  	_ =	shalt  }
0x64: {  	_ =	shalt  }
0x65: {  	_ =	shalt  }
0x66: {  	_ =	shalt  }
0x67: {  	_ =	shalt  }
0x68: {  	_ =	shalt  }
0x69: {  	_ =	shalt  }
0x6a: {  	_ =	shalt  }
0x6b: {  	_ =	shalt  }
0x6c: {  	_ =	shalt  }
0x6d: {  	_ =	shalt  }
0x6e: {  	_ =	shalt  }
0x6f: {  	_ =	shalt  }
0x70: {  	_ =	shalt  }
0x71: {  	_ =	shalt  }
0x72: {  	_ =	shalt  }
0x73: {  	_ =	shalt  }
0x74: {  	_ =	shalt  }
0x75: {  	_ =	shalt  }
0x76: {  	_ =	shalt  }
0x77: {  	_ =	shalt  }
0x78: {  	_ =	shalt  }
0x79: {  	_ =	shalt  }
0x7a: {  	_ =	shalt  }
0x7b: {  	_ =	shalt  }
0x7c: {  	_ =	shalt  }
0x7d: {  	_ =	shalt  }
0x7e: {  	_ =	shalt  }
0x7f: {  	_ =	shalt  }
0x80: {  	_ =	shalt  }
0x81: {  	_ =	shalt  }
0x82: {  	_ =	shalt  }
0x83: {  	_ =	shalt  }
0x84: {  	_ =	shalt  }
0x85: {  	_ =	shalt  }
0x86: {  	_ =	shalt  }
0x87: {  	_ =	shalt  }
.Lfunc_end0:
.L_simem_size_0:
called_computation_lowered:
.L_overlay_start_0:
0x88: {  	s2 =	sld [smem:$0x3FD9]  }
0x89: {  	s3 =	sld [smem:$0x3FFE];
	_ =	sdelay $0x1  }
0x8a: {  	s1 =	srdreg.scid  }
0x8b: {  	s0 =	sand.u32 $0x1, s1  }
0x8c: {  	s17 =	sshll.u32 s0, $0xA;
	s2 =	sadd.s32 s3, s2  }
0x8d: {  	s2 =	sadd.s32 s2, s17  }
0x8e: {  	[smem:$0x3FC6] =	sst s2  }
0x8f: {  	_ = 	snop  }
0x90: {  	s2 =	sld [smem:$0x3FC8]  }
0x91: {  	s18 =	sld [smem:$0x3FD0];
	(tm) =	ssettm $0x1  }
0x92: {  	s4 =	sld [smem:$0x3FFB];
	_ =	sdelay $0x3  }
0x93: {  	_ =	strace s4  }
0x94: {  	s4 =	sld [smem:$0x3FFC];
	_ =	sdelay $0x3  }
0x95: {  	_ =	strace s4  }
0x96: {  	s4 =	sld [smem:$0x3FFD];
	_ =	sdelay $0x3  }
0x97: {  	_ =	strace s4  }
0x98: {  	_ =	strace $0x8FFFFFFF  }
0x99: {  	s19 =	sld [smem:$0x3FDB];
	_ =	sdelay $0x1  }
0x9a: {  	s5 =	simm.s32 $_scs_section_size  }
0x9b: {  	s6 =	simm.s32 $_size__tile_overlayer_lowered;
	s7 =	simm.s32 $_tile_overlayer_lowered  }
0x9c: {  	s22 =	simm.s32 $0x1BFF;
	s21 =	sshll.u32 s7, $0x1;
	s4 =	sadd.s32 s5, s19  }
0x9d: {  	s8 =	simm.s32 $0x0;
	s20 =	sshll.u32 s6, $0x1;
	s6 =	sadd.s32 s21, s4  }
0x9e: {  	[timem:s8], [sflag:s22] =	dma.local [hbm:s6], s20  }
0x9f: {  	_ =	swait.ge [sflag:s22], s20  }
0xa0: {  	s5 =	ssub.s32 $0x0, s20;
	[sflag:s22] =	ssyncset.done $0x0  }
0xa1: {  	[sflag:s22] =	ssyncadd.s32 s5;
	_ =	sdelay $0x1  }
0xa2: {  	s23 =	simm.s32 $0x1B8B  }
0xa3: {  	_ =	swait.ge [sflag:s23], $0x1  }
0xa4: {  	[sflag:s23] =	ssyncset.done $0x0  }
0xa5: {  	s25 =	simm.s32 $0x1B8E;
	s24 =	sld [smem:$0x3FFE];
	[sflag:s23] =	ssyncadd.s32 $0xFFFFFFFF  }
0xa6: {  	s26 =	simm.s32 $execute0_lowered;
	[smem:$0x3FD2] =	sst s25  }
0xa7: {  	s6 =	sshll.u32 s26, $0x1;
	_ =	strace $0x80000046;
	[dreg:$0x1] =	wrdreg $0xFFFFFFFF  }
0xa8: {  	s28 =	simm.s32 $_size_execute0_lowered;
	s4 =	sadd.s32 s4, s6;
	[dreg:$0x0] =	wrdreg $0x0  }
0xa9: {  	s6 =	sshll.u32 s28, $0x1;
	[dreg:$0x2] =	wrdreg s4  }
0xaa: {  	[dreg:$0x3] =	wrdreg s6  }
0xab: {  	[dreg:$0x4] =	wrdreg $0xC0  }
0xac: {  	_ =	task [dreg:s8], $0x5FFFF  }
0xad: {  	[dreg:$0x1] =	wrdreg $0xFFFFFFFF  }
0xae: {  	[dreg:$0x0] =	wrdreg $0x60  }
0xaf: {  	[dreg:$0x2] =	wrdreg s24  }
0xb0: {  	[dreg:$0x3] =	wrdreg s2  }
0xb1: {  	[dreg:$0x4] =	wrdreg s18  }
0xb2: {  	[dreg:$0x5] =	wrdreg $0x102000  }
0xb3: {  	[dreg:$0x6] =	wrdreg $0x9  }
0xb4: {  	_ =	task.clear_ibuf [dreg:s8], $0x7FFFF;
	_ =	strace $0x90000046  }
0xb5: {  	s29 =	simm.s32 $0x9;
	_ =	strace $0x80000048  }
0xb6: {  	_ =	swait.ge [sflag:s29], $0x1  }
0xb7: {  	[sflag:s29] =	ssyncadd.s32 $0xFFFFFFFF  }
0xb8: {  	_ =	strace $0x90000048  }
0xb9: {  	_ =	sfence  }
0xba: {  	s30 =	sld [smem:$0x0];
	_ =	sdelay $0x2  }
0xbb: {  	s31 =	sshll.u32 s1, $0xD;
	s1 =	sshrl.u32 s1, $0x2  }
0xbc: {  	s3 =	sand.u32 $0x4000, s31;
	s1 =	sadd.s32 s1, s30  }
0xbd: {  	s0 =	sor.u32 s3, s0;
	s1 =	sshll.u32 s1, $0x11  }
0xbe: {  	s0 =	sor.u32 s1, s0  }
0xbf: {  	s0 =	sadd.s32 $0x8F2B, s0  }
0xc0: {  	[sflag:s0] =	ssyncadd.remote.s32 $0x1  }
0xc1: {  	_ =	sfence.sel $0xFFFF  }
0xc2: {  	[dreg:$0x0] =	wrdreg $0xFFFFFFFF;
	(pc) =	sbr.abs _section_cstart, $3  }
0xc3: {  	[dreg:$0x1] =	wrdreg $0xFFFFFFFF  }
0xc4: {  	_ =	task.clear_ibuf [dreg:s8], $0x2FFFF;
	_ =	strace $0x9FFFFFFF  }
0xc5: {  	(tm) =	ssettm $0x7FFFFFFF  }
tec
execute0_lowered:
.L_overlay_start_1:
0x0: {  	(tag) =	ssettag $0x1  }
0x1: {  	s2 =	rddreg [dreg:$0x0]  }
0x2: {  	s1 =	rddreg [dreg:$0x1]  }
0x3: {  	s4 =	srdreg.scid;
	s3 =	rddreg [dreg:$0x2]  }
0x4: {  	s0 =	stileid.u32;
	s13 =	rddreg [dreg:$0x3]  }
0x5: {  	s17 =	simm.s32 $0xB;
	s28 =	simm.s32 $0xBA00;
	s29 =	simm.s32 $0x5  }
0x6: {  	s30 =	simm.s32 $0x9;
	s31 =	simm.s32 $0xA;
	s18 =	simm.s32 $0x0  }
0x7: {  	s5 =	sand.u32 $0x1, s4;
	s23 =	sshll.u32 s0, $0xA;
	s4 =	simm.s32 $0x0  }
0x8: {  	s7 =	sadd.s32 $0x200, s1;
	s25 =	smul.u32 $0x30000, s0;
	s8 =	sadd.s32 $0x300, s1  }
0x9: {  	s9 =	sadd.s32 $0x400, s1;
	s10 =	sadd.s32 $0x500, s1;
	s11 =	sadd.s32 $0x600, s1  }
0xa: {  	s6 =	sshll.u32 s5, $0x9;
	s5 =	ssub.s32 $0x2, s5;
	[smem:$0x7FF] =	sst s4  }
0xb: {  	s12 =	sor.u32 s6, s23;
	s24 =	sshrl.u32 s5, $0x1;
	_ =	strace $0x80000047  }
.Ltmp0:
0xc: {  	s6 =	sshrl.u32 s12, $0x3;
	s15 =	ssub.s32 s5, s24;
	(pc) =	sbr.rel .LBB2_1-.Ltmp0, $4  }
0xd: {  	s16 =	sshll.u32 s12, $0x8;
	s12 =	sadd.s32 $0x700, s1;
	s2 =	sadd.s32 s6, s2  }
0xe: {  	v0 =	vlaneseq.u32;
	s6 =	sadd.s32 $0x100, s1;
	s26 =	sadd.s32 s16, s3;
	s15 =	smax.u32 s15, $0x1  }
0xf: {  	v1 =	vshrl.u32 v0, $0x3;
	s20 =	sadd.s32 $0xFFFFF800, s16;
	s5 =	sadd.s32 $0x400, s2;
	s2 =	sshrl.u32 s25, $0x2  }
0x10: {  	vm0 =	vmmov $0xffff;
	v0 =	vand.u32 $0x7, v0;
	v1 =	vmul.u32 $0x8, v1;
	s14 =	sadd.s32 $0x1F800, s26;
	s13 =	sadd.s32 s2, s13;
	s2 =	simm.s32 $0x8  }
.LBB2_8:
0x11: {  	_ =	swait.ge [sflag:s29], $0x4000  }
0x12: {  	s16 =	sshll.u32 s0, $0x6;
	[sflag:s29] =	ssyncset.done $0x0  }
0x13: {  	s19 =	sshrl.u32 s13, $0x3;
	s16 =	sor.u32 $0x1C08, s16;
	[sflag:s29] =	ssyncadd.s32 $0xFFFFC000  }
0x14: {  	[hbm:s14], [sflag:s16] =	dma.local [spmem:s19], $0x800  }
0x15: {  	_ =	swait.ge [sflag:s30], $0x800  }
0x16: {  	[sflag:s30] =	ssyncset.done $0x0  }
0x17: {  	s18 =	sadd.s32 $0x1, s18;
	[sflag:s30] =	ssyncadd.s32 $0xFFFFF800  }
0x18: {  	p0 =	sne.s32 s18, s15;
	_ =	swait.ge [sflag:s31], $0x800  }
.Ltmp1:
0x19: {  	[sflag:s31] =	ssyncset.done $0x0;
	(pc) =	sbr.rel @!p0 .LBB2_9-.Ltmp1, $4  }
0x1a: {  	[sflag:s31] =	ssyncadd.s32 $0xFFFFF800  }
0x1b: {  	_ =	swait.ge [sflag:s2], $0x800  }
0x1c: {  	[sflag:s2] =	ssyncset.done $0x0  }
0x1d: {  	[sflag:s2] =	ssyncadd.s32 $0xFFFFF800  }
.LBB2_1:
0x1e: {  	[tilespmem:s4], [sflag:$0xB] =	stream.linear.gather [hbm4b:s5+s4], $0x200, $0x38;
	[tilespmem:$0x1C200] =	vst v63  }
0x1f: {  	_ =	swait.ge [sflag:s17], $0x200  }
0x20: {  	[sflag:s17] =	ssyncset.done $0x0  }
0x21: {  	[sflag:s17] =	ssyncadd.s32 $0xFFFFFE00  }
0x22: {  	v2 =	vld.msk [tilespmem:$0x0], $0xff;
	_ =	sdelay $0x4  }
0x23: {  	v3 =	vshll.u32 v2, $0x4  }
0x24: {  	v2 =	vand.u32 $0x7, v2;
	v3 =	vand.u32 $0xFFFFFF80, v3  }
0x25: {  	v2 =	vor.u32 v2, v3  }
0x26: {  	v2 =	vperm.xlane v2, v0;
	_ =	sdelay $0x1  }
0x27: {  	v2 =	vadd.s32 v1, v2;
	_ =	sdelay $0x3  }
0x28: {  	s16 =	simm.s32 $0x200  }
0x29: {  	[tilespmem:s16], [sflag:$0x1] =	stream.indirect_vreg.gather [hbm4b:s1+s4], $0x80, v2, vm0, $0xb8;
	[tilespmem:$0x1C200] =	vst v63  }
0x2a: {  	s26 =	simm.s32 $0xA00  }
0x2b: {  	[tilespmem:s26], [sflag:$0x1] =	stream.indirect_vreg.gather [hbm4b:s6+s4], $0x80, v2, vm0, $0xb8;
	[tilespmem:$0x1C200] =	vst v63  }
0x2c: {  	s19 =	simm.s32 $0x1200  }
0x2d: {  	[tilespmem:s19], [sflag:$0x1] =	stream.indirect_vreg.gather [hbm4b:s7+s4], $0x80, v2, vm0, $0xb8;
	[tilespmem:$0x1C200] =	vst v63  }
0x2e: {  	s21 =	simm.s32 $0x1A00  }
0x2f: {  	[tilespmem:s21], [sflag:$0x1] =	stream.indirect_vreg.gather [hbm4b:s8+s4], $0x80, v2, vm0, $0xb8;
	[tilespmem:$0x1C200] =	vst v63  }
0x30: {  	s22 =	simm.s32 $0x2200  }
0x31: {  	[tilespmem:s22], [sflag:$0x1] =	stream.indirect_vreg.gather [hbm4b:s9+s4], $0x80, v2, vm0, $0xb8;
	[tilespmem:$0x1C200] =	vst v63  }
0x32: {  	s23 =	simm.s32 $0x2A00  }
0x33: {  	[tilespmem:s23], [sflag:$0x1] =	stream.indirect_vreg.gather [hbm4b:s10+s4], $0x80, v2, vm0, $0xb8;
	[tilespmem:$0x1C200] =	vst v63  }
0x34: {  	s24 =	simm.s32 $0x3200  }
0x35: {  	[tilespmem:s24], [sflag:$0x1] =	stream.indirect_vreg.gather [hbm4b:s11+s4], $0x80, v2, vm0, $0xb8;
	[tilespmem:$0x1C200] =	vst v63  }
0x36: {  	s25 =	simm.s32 $0x3A00  }
0x37: {  	[tilespmem:s25], [sflag:$0x1] =	stream.indirect_vreg.gather [hbm4b:s12+s4], $0x80, v2, vm0, $0xb8;
	[tilespmem:$0x1C200] =	vst v63  }
0x38: {  	v2 =	vld.msk [tilespmem:$0x8], $0xff;
	_ =	sdelay $0x4  }
0x39: {  	v3 =	vshll.u32 v2, $0x4  }
0x3a: {  	v2 =	vand.u32 $0x7, v2;
	v3 =	vand.u32 $0xFFFFFF80, v3  }
0x3b: {  	v2 =	vor.u32 v2, v3  }
0x3c: {  	v2 =	vperm.xlane v2, v0;
	_ =	sdelay $0x1  }
0x3d: {  	v2 =	vadd.s32 v1, v2;
	_ =	sdelay $0x3  }
0x3e: {  	s26 =	simm.s32 $0x4200  }
0x3f: {  	[tilespmem:s26], [sflag:$0x2] =	stream.indirect_vreg.gather [hbm4b:s1+s4], $0x80, v2, vm0, $0xb8;
	[tilespmem:$0x1C200] =	vst v63  }
0x40: {  	s19 =	simm.s32 $0x4A00  }
0x41: {  	[tilespmem:s19], [sflag:$0x2] =	stream.indirect_vreg.gather [hbm4b:s6+s4], $0x80, v2, vm0, $0xb8;
	[tilespmem:$0x1C200] =	vst v63  }
0x42: {  	s21 =	simm.s32 $0x5200  }
0x43: {  	[tilespmem:s21], [sflag:$0x2] =	stream.indirect_vreg.gather [hbm4b:s7+s4], $0x80, v2, vm0, $0xb8;
	[tilespmem:$0x1C200] =	vst v63  }
0x44: {  	s22 =	simm.s32 $0x5A00  }
0x45: {  	[tilespmem:s22], [sflag:$0x2] =	stream.indirect_vreg.gather [hbm4b:s8+s4], $0x80, v2, vm0, $0xb8;
	[tilespmem:$0x1C200] =	vst v63  }
0x46: {  	s23 =	simm.s32 $0x6200  }
0x47: {  	[tilespmem:s23], [sflag:$0x2] =	stream.indirect_vreg.gather [hbm4b:s9+s4], $0x80, v2, vm0, $0xb8;
	[tilespmem:$0x1C200] =	vst v63  }
0x48: {  	s24 =	simm.s32 $0x6A00  }
0x49: {  	[tilespmem:s24], [sflag:$0x2] =	stream.indirect_vreg.gather [hbm4b:s10+s4], $0x80, v2, vm0, $0xb8;
	[tilespmem:$0x1C200] =	vst v63  }
0x4a: {  	s25 =	simm.s32 $0x7200  }
0x4b: {  	[tilespmem:s25], [sflag:$0x2] =	stream.indirect_vreg.gather [hbm4b:s11+s4], $0x80, v2, vm0, $0xb8;
	[tilespmem:$0x1C200] =	vst v63  }
0x4c: {  	s26 =	simm.s32 $0x7A00  }
0x4d: {  	[tilespmem:s26], [sflag:$0x2] =	stream.indirect_vreg.gather [hbm4b:s12+s4], $0x80, v2, vm0, $0xb8;
	[tilespmem:$0x1C200] =	vst v63  }
0x4e: {  	v2 =	vld.msk [tilespmem:$0x10], $0xff;
	_ =	sdelay $0x4  }
0x4f: {  	v3 =	vshll.u32 v2, $0x4  }
0x50: {  	v2 =	vand.u32 $0x7, v2;
	v3 =	vand.u32 $0xFFFFFF80, v3  }
0x51: {  	v2 =	vor.u32 v2, v3  }
0x52: {  	v2 =	vperm.xlane v2, v0;
	_ =	sdelay $0x1  }
0x53: {  	v2 =	vadd.s32 v1, v2;
	_ =	sdelay $0x3  }
0x54: {  	s19 =	simm.s32 $0x8200  }
0x55: {  	[tilespmem:s19], [sflag:$0x3] =	stream.indirect_vreg.gather [hbm4b:s1+s4], $0x80, v2, vm0, $0xb8;
	[tilespmem:$0x1C200] =	vst v63  }
0x56: {  	s21 =	simm.s32 $0x8A00  }
0x57: {  	[tilespmem:s21], [sflag:$0x3] =	stream.indirect_vreg.gather [hbm4b:s6+s4], $0x80, v2, vm0, $0xb8;
	[tilespmem:$0x1C200] =	vst v63  }
0x58: {  	s22 =	simm.s32 $0x9200  }
0x59: {  	[tilespmem:s22], [sflag:$0x3] =	stream.indirect_vreg.gather [hbm4b:s7+s4], $0x80, v2, vm0, $0xb8;
	[tilespmem:$0x1C200] =	vst v63  }
0x5a: {  	s23 =	simm.s32 $0x9A00  }
0x5b: {  	[tilespmem:s23], [sflag:$0x3] =	stream.indirect_vreg.gather [hbm4b:s8+s4], $0x80, v2, vm0, $0xb8;
	[tilespmem:$0x1C200] =	vst v63  }
0x5c: {  	s24 =	simm.s32 $0xA200  }
0x5d: {  	[tilespmem:s24], [sflag:$0x3] =	stream.indirect_vreg.gather [hbm4b:s9+s4], $0x80, v2, vm0, $0xb8;
	[tilespmem:$0x1C200] =	vst v63  }
0x5e: {  	s25 =	simm.s32 $0xAA00  }
0x5f: {  	[tilespmem:s25], [sflag:$0x3] =	stream.indirect_vreg.gather [hbm4b:s10+s4], $0x80, v2, vm0, $0xb8;
	[tilespmem:$0x1C200] =	vst v63  }
.Ltmp2:
0x60: {  	_ = 	snop;
	(pc) =	sbr.rel .LBB2_2-.Ltmp2, $4  }
0x61: {  	s26 =	simm.s32 $0xB200  }
0x62: {  	[tilespmem:s26], [sflag:$0x3] =	stream.indirect_vreg.gather [hbm4b:s11+s4], $0x80, v2, vm0, $0xb8;
	[tilespmem:$0x1C200] =	vst v63  }
0x63: {  	s16 =	smov.u32 s20;
	s19 =	simm.s32 $0x18;
	s21 =	simm.s32 $0xFFFFFFFF  }
0x64: {  	[tilespmem:s28], [sflag:$0x3] =	stream.indirect_vreg.gather [hbm4b:s12+s4], $0x80, v2, vm0, $0xb8;
	[tilespmem:$0x1C200] =	vst v63  }
.LBB2_6:
0x65: {  	v2 =	vld.msk [tilespmem:s19+$0x0], $0xff;
	_ =	sdelay $0x4  }
0x66: {  	v3 =	vshll.u32 v2, $0x4  }
0x67: {  	v2 =	vand.u32 $0x7, v2;
	v3 =	vand.u32 $0xFFFFFF80, v3  }
0x68: {  	v2 =	vor.u32 v2, v3  }
0x69: {  	v2 =	vperm.xlane v2, v0;
	_ =	sdelay $0x1  }
0x6a: {  	v2 =	vadd.s32 v1, v2  }
0x6b: {  	s21 =	sadd.s32 $0x4, s21  }
0x6c: {  	s21 =	sand.u32 $0x3, s21  }
0x6d: {  	s23 =	sshll.u32 s21, $0xE  }
0x6e: {  	s21 =	sadd.s32 $0x1, s21;
	s24 =	sor.u32 $0x200, s23  }
0x6f: {  	[tilespmem:s24], [sflag:s21] =	stream.indirect_vreg.gather [hbm4b:s1+s4], $0x80, v2, vm0, $0xb8;
	[tilespmem:$0x1C200] =	vst v63  }
0x70: {  	s25 =	sor.u32 $0xA00, s23  }
0x71: {  	[tilespmem:s25], [sflag:s21] =	stream.indirect_vreg.gather [hbm4b:s6+s4], $0x80, v2, vm0, $0xb8;
	[tilespmem:$0x1C200] =	vst v63  }
0x72: {  	s26 =	sor.u32 $0x1200, s23  }
0x73: {  	[tilespmem:s26], [sflag:s21] =	stream.indirect_vreg.gather [hbm4b:s7+s4], $0x80, v2, vm0, $0xb8;
	[tilespmem:$0x1C200] =	vst v63  }
0x74: {  	s25 =	sor.u32 $0x1A00, s23  }
0x75: {  	[tilespmem:s25], [sflag:s21] =	stream.indirect_vreg.gather [hbm4b:s8+s4], $0x80, v2, vm0, $0xb8;
	[tilespmem:$0x1C200] =	vst v63  }
0x76: {  	s26 =	sor.u32 $0x2200, s23  }
0x77: {  	[tilespmem:s26], [sflag:s21] =	stream.indirect_vreg.gather [hbm4b:s9+s4], $0x80, v2, vm0, $0xb8;
	[tilespmem:$0x1C200] =	vst v63  }
0x78: {  	s25 =	sor.u32 $0x2A00, s23  }
0x79: {  	[tilespmem:s25], [sflag:s21] =	stream.indirect_vreg.gather [hbm4b:s10+s4], $0x80, v2, vm0, $0xb8;
	[tilespmem:$0x1C200] =	vst v63  }
0x7a: {  	s26 =	sor.u32 $0x3200, s23  }
0x7b: {  	[tilespmem:s26], [sflag:s21] =	stream.indirect_vreg.gather [hbm4b:s11+s4], $0x80, v2, vm0, $0xb8;
	[tilespmem:$0x1C200] =	vst v63  }
0x7c: {  	s23 =	sor.u32 $0x3A00, s23  }
0x7d: {  	[tilespmem:s23], [sflag:s21] =	stream.indirect_vreg.gather [hbm4b:s12+s4], $0x80, v2, vm0, $0xb8;
	[tilespmem:$0x1C200] =	vst v63  }
.LBB2_7:
0x7e: {  	p0 =	sne.s32 s22, $0x3F  }
.Ltmp3:
0x7f: {  	_ = 	snop;
	(pc) =	sbr.rel @!p0 .LBB2_8-.Ltmp3, $2  }
0x80: {  	_ =	sdelay $0x2  }
0x81: {  	s16 =	sadd.s32 $0x800, s16;
	s19 =	sadd.s32 $0x8, s19;
	s21 =	smov.u32 s22  }
.LBB2_2:
0x82: {  	s22 =	sadd.s32 $0x1, s21  }
0x83: {  	s23 =	smul.u32 $0xAB, s22;
	_ =	sdelay $0x1  }
0x84: {  	p0 =	slt.u32 s22, $0x3;
	s23 =	sshrl.u32 s23, $0x9  }
.Ltmp4:
0x85: {  	s24 =	sand.u32 $0x3, s22;
	s23 =	sand.u32 $0x7F, s23;
	(pc) =	sbr.rel @p0 .LBB2_4-.Ltmp4, $4  }
0x86: {  	s25 =	sadd.s32 $0x1, s24;
	s23 =	smul.u32 $0x3, s23  }
0x87: {  	_ =	swait.ge [sflag:s25], $0x4000  }
0x88: {  	s26 =	sshll.u32 s24, $0xE;
	[sflag:s25] =	ssyncset.done $0x0;
	s23 =	ssub.s32 s22, s23  }
0x89: {  	[sflag:s25] =	ssyncadd.s32 $0xFFFFC000;
	s24 =	sand.u32 $0xFF, s23;
	s23 =	sor.u32 $0x200, s26  }
.Ltmp5:
0x8a: {  	s25 =	sadd.s32 $0x8, s24;
	(pc) =	sbr.rel .LBB2_5-.Ltmp5, $4  }
0x8b: {  	_ =	swait.ge [sflag:s25], $0x800  }
0x8c: {  	s26 =	sshll.u32 s24, $0xE;
	[sflag:s25] =	ssyncset.done $0x0  }
0x8d: {  	s26 =	sadd.s32 s26, s13;
	[sflag:s25] =	ssyncadd.s32 $0xFFFFF800;
	s25 =	sadd.s32 $0x5, s24  }
0x8e: {  	[spmem:s26] =	stream.linear.scatter [tilespmem:s23], [sflag:s25], $0x4000, $0x38;
	[tilespmem:$0x1C200] =	vst v63  }
.LBB2_4:
0x8f: {  	p0 =	seq.s32 s21, $0xFFFFFFFF  }
.Ltmp6:
0x90: {  	_ = 	snop;
	(pc) =	sbr.rel @p0 .LBB2_6-.Ltmp6, $4  }
0x91: {  	_ = 	snop  }
0x92: {  	s25 =	sshll.u32 s24, $0xE  }
0x93: {  	s26 =	sadd.s32 $0x5, s24;
	s25 =	sadd.s32 s25, s13  }
0x94: {  	[spmem:s25] =	stream.linear.scatter [tilespmem:s23], [sflag:s26], $0x4000, $0x38;
	[tilespmem:$0x1C200] =	vst v63  }
.LBB2_5:
0x95: {  	s23 =	sand.u32 $0xFF, s21  }
0x96: {  	s23 =	smul.u32 $0xAB, s23;
	_ =	sdelay $0x1  }
0x97: {  	s23 =	sshrl.u32 s23, $0x9  }
0x98: {  	s23 =	smul.u32 $0x3, s23;
	_ =	sdelay $0x1  }
0x99: {  	s23 =	ssub.s32 s21, s23  }
0x9a: {  	s23 =	sand.u32 $0xFF, s23  }
0x9b: {  	s25 =	sshll.u32 s0, $0x6;
	p0 =	sgt.u32 s22, $0x3C;
	s24 =	sadd.s32 $0x5, s23  }
.Ltmp7:
0x9c: {  	s26 =	sshll.u32 s23, $0xE;
	_ =	swait.ge [sflag:s24], $0x4000;
	(pc) =	sbr.rel @p0 .LBB2_7-.Ltmp7, $4  }
.Ltmp8:
0x9d: {  	s23 =	sadd.s32 s23, s25;
	[sflag:s24] =	ssyncset.done $0x0;
	(pc) =	sbr.rel @!p0 .LBB2_6-.Ltmp8, $4  }
0x9e: {  	[sflag:s24] =	ssyncadd.s32 $0xFFFFC000;
	s24 =	sadd.s32 s26, s13;
	s26 =	sand.u32 $0x1FFFF800, s16  }
0x9f: {  	s23 =	sadd.s32 $0x1C08, s23;
	s26 =	sadd.s32 s3, s26;
	s24 =	sshrl.u32 s24, $0x3  }
0xa0: {  	[hbm:s26], [sflag:s23] =	dma.local [spmem:s24], $0x800  }
0xa1: {  	_ = 	snop  }
.LBB2_9:
0xa2: {  	_ =	sfence.sel $0x180000  }
0xa3: {  	[bflag:$0x0] =	sbarrier.arrive $0xFFFF  }
0xa4: {  	_ =	strace $0x90000047  }
0xa5: {  	[bflag:$0x2] =	sbarrier.arrive $0xFFFF  }
0xa6: {  	p0 =	sne.s32 s0, $0x0;
	s0 =	rddreg [dreg:$0x4]  }
0xa7: {  	s0 =	sadd.s32 @!p0 $0x100000, s0  }
0xa8: {  	[sflag:s0] =	ssyncadd.tile.s32 @!p0 $0x1;
	_ =	shalt  }
.Lfunc_end2:
_tile_overlayer_lowered:
.L_overlay_start_2:
0xa9: {  	(tag) =	ssettag $0x2  }
0xaa: {  	s0 =	rddreg [dreg:$0x0];
	s2 =	stileid.u32  }
0xab: {  	s1 =	rddreg [dreg:$0x1];
	p0 =	sne.s32 s2, $0x0  }
0xac: {  	s3 =	rddreg [dreg:$0x2];
	[bflag:$0x3] =	sbarrier.arrive $0xFFFF;
	s2 =	simm.s32 @!p0 $0x1C0B  }
0xad: {  	[timem:s3], [sflag:s2] =	dma.local @!p0 [hbm:s0], s1  }
0xae: {  	s0 =	simm.s32 @!p0 $0xB  }
0xaf: {  	_ =	swait.ge @!p0 [sflag:s0], s1  }
0xb0: {  	s1 =	ssub.s32 @!p0 $0x0, s1;
	[sflag:s0] =	ssyncset.done @!p0 $0x0  }
0xb1: {  	[sflag:s0] =	ssyncadd.s32 @!p0 s1  }
0xb2: {  	[bflag:$0x3] =	sbarrier.arrive $0xFFFF  }
0xb3: {  	_ =	shalt  }

</sc_bundles>
